<compile_context>
chip_gen: v7x
topology: tpu7x:2x2x1
jax: 0.10.2.dev20260603
libtpu: 0.0.44.dev20260713+nightly
codegen_flags: <defaults>
</compile_context>

<pallas_src>
import functools

import jax
import jax.numpy as jnp
from jax import lax
from jax.experimental import pallas as pl
from jax.experimental.pallas import tpu as pltpu
from jax.experimental.pallas import tpu_sc as plsc

_NC = 2
_NS = 16
_L = 16
_NW = _NC * _NS


def _tc_logits_body(x_ref, wt_ref, b_ref, out_ref):
    p = jnp.dot(x_ref[...], wt_ref[...], preferred_element_type=jnp.float32)
    out_ref[...] = p.T + b_ref[...]


def _sc_top1_body(lt_hbm, score_hbm, idx_hbm, lbuf, sbuf, ibuf):
    E = lbuf.shape[0]
    tpw = lbuf.shape[1]
    wid = lax.axis_index("s") * _NC + lax.axis_index("c")
    pltpu.sync_copy(lt_hbm.at[:, pl.ds(wid * tpw, tpw)], lbuf)

    def step(j, _):
        off = j * _L
        ls = [lbuf[e, pl.ds(off, _L)] for e in range(E)]
        m = ls[0]
        idx = jnp.zeros((_L,), jnp.int32)
        for e in range(1, E):
            g = ls[e] > m
            m = jnp.where(g, ls[e], m)
            idx = jnp.where(g, jnp.full((_L,), e, jnp.int32), idx)
        s = jnp.exp(ls[0] - m)
        for e in range(1, E):
            s = s + jnp.exp(ls[e] - m)
        sbuf[pl.ds(off, _L)] = 1.0 / s
        ibuf[pl.ds(off, _L)] = idx
        return 0

    lax.fori_loop(0, tpw // _L, step, 0)
    base = wid * tpw
    pltpu.sync_copy(sbuf, score_hbm.at[pl.ds(base, tpw)])
    pltpu.sync_copy(ibuf, idx_hbm.at[pl.ds(base, tpw)])


def kernel(x, W, b):
    d_model = x.shape[-1]
    n_experts = W.shape[0]
    x_flat = x.reshape(-1, d_model)
    n_tok = x_flat.shape[0]
    tpw = n_tok // _NW
    bm = 4096

    logits_t = pl.pallas_call(
        _tc_logits_body,
        grid=(n_tok // bm,),
        in_specs=[
            pl.BlockSpec((bm, d_model), lambda i: (i, 0)),
            pl.BlockSpec((d_model, n_experts), lambda i: (0, 0)),
            pl.BlockSpec((n_experts, 1), lambda i: (0, 0)),
        ],
        out_specs=pl.BlockSpec((n_experts, bm), lambda i: (0, i)),
        out_shape=jax.ShapeDtypeStruct((n_experts, n_tok), jnp.float32),
    )(x_flat, W.T, b.reshape(n_experts, 1))

    mesh = plsc.VectorSubcoreMesh(core_axis_name="c", subcore_axis_name="s")
    scores, idx = pl.kernel(
        _sc_top1_body,
        out_type=(
            jax.ShapeDtypeStruct((n_tok,), jnp.float32),
            jax.ShapeDtypeStruct((n_tok,), jnp.int32),
        ),
        mesh=mesh,
        scratch_types=[
            pltpu.VMEM((n_experts, tpw), jnp.float32),
            pltpu.VMEM((tpw,), jnp.float32),
            pltpu.VMEM((tpw,), jnp.int32),
        ],
    )(logits_t)

    return scores.reshape(n_tok, 1), idx.reshape(n_tok, 1)

# --- scband reference (transcript-rebuilt; emitter-appended) ---
"""Pipeline reference for scband-top-kgating-13563506721406 (READ-ONLY COPY).

The authoritative reference and input builder live on the scoring server;
editing this copy changes nothing except your own understanding.
"""

import jax, jax.numpy as jnp
import numpy as np


def setup_inputs(seed: int = 0) -> dict:
    key = jax.random.key(seed)
    k1, k2, k3 = jax.random.split(key, 3)
    x = jax.random.normal(k1, (4, 8192, 768), dtype=jnp.float32)
    # gate: nn.Linear(d_model=768, num_experts=8)
    W = jax.random.normal(k2, (8, 768), dtype=jnp.float32) * (1.0 / np.sqrt(768.0))
    b = jax.random.uniform(k3, (8,), dtype=jnp.float32, minval=-1.0 / np.sqrt(768.0), maxval=1.0 / np.sqrt(768.0))
    return {"x": x, "W": W, "b": b}


def reference(x, W, b):
    d_model = x.shape[-1]
    x_flat = x.reshape(-1, d_model)
    logits = x_flat @ W.T + b
    scores = jax.nn.softmax(logits, axis=-1)
    topk_scores, topk_indices = jax.lax.top_k(scores, 1)
    return (topk_scores, topk_indices)

if __name__ == "__main__":
    import jax
    _d = setup_inputs()
    print(jax.jit(kernel)(*tuple(_d.values())))

</pallas_src>

<mosaic_0001>
#map = affine_map<(d0, d1) -> (0, 0)>
#map1 = affine_map<(d0, d1) -> (0)>
module attributes {stable_mosaic.version = 14 : i64} {
  func.func @_sc_top1_body(%arg0: i32, %arg1: i32, %arg2: memref<8x32768xf32, #tpu.memory_space<hbm>>, %arg3: memref<32768xf32, #tpu.memory_space<hbm>>, %arg4: memref<32768xi32, #tpu.memory_space<hbm>>, %arg5: memref<8x1024xf32, #tpu.memory_space<vmem>>, %arg6: memref<1024xf32, #tpu.memory_space<vmem>>, %arg7: memref<1024xi32, #tpu.memory_space<vmem>>) attributes {dimension_semantics = [#tpu.dimension_semantics<core_parallel>, #tpu.dimension_semantics<subcore_parallel>], iteration_bounds = array<i64: 2, 16>, scalar_prefetch = 0 : i64, scratch_operands = 3 : i64, tpu.core_type = #tpu.core_type<sc_vector_subcore>, window_params = [{transform_indices = #map}, {transform_indices = #map1}, {transform_indices = #map1}]} {
    %mul3A = arith.constant 2 : i32
    %mul3A_0 = arith.muli %arg1, %mul3A : i32
    %add3A = arith.addi %mul3A_0, %arg0 : i32
    %mul3A_1 = arith.constant 1024 : i32
    %mul3A_2 = arith.muli %add3A, %mul3A_1 : i32
    "tpu.region"() ({
      %run_scoped3A = tpu.sem_alloc : memref<!tpu.dma_semaphore, #tpu.memory_space<semaphore_mem>>
      %dma_start3A = arith.constant 0 : i32
      %dma_start3A_11 = tpu.memref_slice %arg2[%dma_start3A, %mul3A_2] : memref<8x32768xf32, #tpu.memory_space<hbm>> -> memref<8x1024xf32, #tpu.memory_space<hbm>>
      %dma_start3A_12 = arith.constant 0 : i32
      %dma_start3A_13 = tpu.memref_slice %arg2[%dma_start3A_12, %mul3A_2] : memref<8x32768xf32, #tpu.memory_space<hbm>> -> memref<8x1024xf32, #tpu.memory_space<hbm>>
      tpu.enqueue_dma source(%dma_start3A_13 : memref<8x1024xf32, #tpu.memory_space<hbm>>) target(%arg5 : memref<8x1024xf32, #tpu.memory_space<vmem>>) target_semaphore(%run_scoped3A : memref<!tpu.dma_semaphore, #tpu.memory_space<semaphore_mem>>)
      %dma_wait3A = arith.constant 0 : i32
      %dma_wait3A_14 = tpu.memref_slice %arg2[%dma_wait3A, %mul3A_2] : memref<8x32768xf32, #tpu.memory_space<hbm>> -> memref<8x1024xf32, #tpu.memory_space<hbm>>
      %dma_wait3A_15 = arith.constant 0 : i32
      %dma_wait3A_16 = tpu.memref_slice %arg2[%dma_wait3A_15, %mul3A_2] : memref<8x32768xf32, #tpu.memory_space<hbm>> -> memref<8x1024xf32, #tpu.memory_space<hbm>>
      tpu.wait_dma2 semaphore(%run_scoped3A : memref<!tpu.dma_semaphore, #tpu.memory_space<semaphore_mem>>) src(%dma_wait3A_16 : memref<8x1024xf32, #tpu.memory_space<hbm>>) dst(%arg5 : memref<8x1024xf32, #tpu.memory_space<vmem>>)
      tpu.yield
    }) : () -> ()
    %scan3A = arith.constant 0 : i32
    %scan3A_3 = arith.constant 0 : i32
    %scan3A_4 = arith.constant 64 : i32
    %scan3A_5 = arith.addi %scan3A_3, %scan3A_4 : i32
    %scan3A_6 = arith.constant 1 : i32
    %scan3A_7 = scf.for %scan3A_11 = %scan3A_3 to %scan3A_5 step %scan3A_6 iter_args(%scan3A_12 = %scan3A) -> (i32)  : i32 {
      %mul3A_13 = arith.constant 16 : i32
      %mul3A_14 = arith.muli %scan3A_11, %mul3A_13 : i32
      %get3A = arith.constant 0 : i32
      %get3A_15 = arith.index_cast %get3A : i32 to index
      %get3A_16 = arith.index_cast %mul3A_14 : i32 to index
      %get3A_17 = tpu.vector_load %arg5[%get3A_15, %get3A_16] {strides = array<i32>} : memref<8x1024xf32, #tpu.memory_space<vmem>>, vector<1x16xf32>,
      %get3A_18 = vector.shape_cast %get3A_17 : vector<1x16xf32> to vector<16xf32>
      %get3A_19 = arith.constant 1 : i32
      %get3A_20 = arith.index_cast %get3A_19 : i32 to index
      %get3A_21 = arith.index_cast %mul3A_14 : i32 to index
      %get3A_22 = tpu.vector_load %arg5[%get3A_20, %get3A_21] {strides = array<i32>} : memref<8x1024xf32, #tpu.memory_space<vmem>>, vector<1x16xf32>,
      %get3A_23 = vector.shape_cast %get3A_22 : vector<1x16xf32> to vector<16xf32>
      %get3A_24 = arith.constant 2 : i32
      %get3A_25 = arith.index_cast %get3A_24 : i32 to index
      %get3A_26 = arith.index_cast %mul3A_14 : i32 to index
      %get3A_27 = tpu.vector_load %arg5[%get3A_25, %get3A_26] {strides = array<i32>} : memref<8x1024xf32, #tpu.memory_space<vmem>>, vector<1x16xf32>,
      %get3A_28 = vector.shape_cast %get3A_27 : vector<1x16xf32> to vector<16xf32>
      %get3A_29 = arith.constant 3 : i32
      %get3A_30 = arith.index_cast %get3A_29 : i32 to index
      %get3A_31 = arith.index_cast %mul3A_14 : i32 to index
      %get3A_32 = tpu.vector_load %arg5[%get3A_30, %get3A_31] {strides = array<i32>} : memref<8x1024xf32, #tpu.memory_space<vmem>>, vector<1x16xf32>,
      %get3A_33 = vector.shape_cast %get3A_32 : vector<1x16xf32> to vector<16xf32>
      %get3A_34 = arith.constant 4 : i32
      %get3A_35 = arith.index_cast %get3A_34 : i32 to index
      %get3A_36 = arith.index_cast %mul3A_14 : i32 to index
      %get3A_37 = tpu.vector_load %arg5[%get3A_35, %get3A_36] {strides = array<i32>} : memref<8x1024xf32, #tpu.memory_space<vmem>>, vector<1x16xf32>,
      %get3A_38 = vector.shape_cast %get3A_37 : vector<1x16xf32> to vector<16xf32>
      %get3A_39 = arith.constant 5 : i32
      %get3A_40 = arith.index_cast %get3A_39 : i32 to index
      %get3A_41 = arith.index_cast %mul3A_14 : i32 to index
      %get3A_42 = tpu.vector_load %arg5[%get3A_40, %get3A_41] {strides = array<i32>} : memref<8x1024xf32, #tpu.memory_space<vmem>>, vector<1x16xf32>,
      %get3A_43 = vector.shape_cast %get3A_42 : vector<1x16xf32> to vector<16xf32>
      %get3A_44 = arith.constant 6 : i32
      %get3A_45 = arith.index_cast %get3A_44 : i32 to index
      %get3A_46 = arith.index_cast %mul3A_14 : i32 to index
      %get3A_47 = tpu.vector_load %arg5[%get3A_45, %get3A_46] {strides = array<i32>} : memref<8x1024xf32, #tpu.memory_space<vmem>>, vector<1x16xf32>,
      %get3A_48 = vector.shape_cast %get3A_47 : vector<1x16xf32> to vector<16xf32>
      %get3A_49 = arith.constant 7 : i32
      %get3A_50 = arith.index_cast %get3A_49 : i32 to index
      %get3A_51 = arith.index_cast %mul3A_14 : i32 to index
      %get3A_52 = tpu.vector_load %arg5[%get3A_50, %get3A_51] {strides = array<i32>} : memref<8x1024xf32, #tpu.memory_space<vmem>>, vector<1x16xf32>,
      %get3A_53 = vector.shape_cast %get3A_52 : vector<1x16xf32> to vector<16xf32>
      %broadcast_in_dim3A = arith.constant 0 : i32
      %broadcast_in_dim3A_54 = vector.broadcast %broadcast_in_dim3A : i32 to vector<16xi32>
      %gt3A = arith.cmpf ogt, %get3A_23, %get3A_18 : vector<16xf32>
      %select_n3A = arith.select %gt3A, %get3A_23, %get3A_18 : vector<16xi1>, vector<16xf32>
      %broadcast_in_dim3A_55 = arith.constant 1 : i32
      %broadcast_in_dim3A_56 = vector.broadcast %broadcast_in_dim3A_55 : i32 to vector<16xi32>
      %select_n3A_57 = arith.select %gt3A, %broadcast_in_dim3A_56, %broadcast_in_dim3A_54 : vector<16xi1>, vector<16xi32>
      %gt3A_58 = arith.cmpf ogt, %get3A_28, %select_n3A : vector<16xf32>
      %select_n3A_59 = arith.select %gt3A_58, %get3A_28, %select_n3A : vector<16xi1>, vector<16xf32>
      %broadcast_in_dim3A_60 = arith.constant 2 : i32
      %broadcast_in_dim3A_61 = vector.broadcast %broadcast_in_dim3A_60 : i32 to vector<16xi32>
      %select_n3A_62 = arith.select %gt3A_58, %broadcast_in_dim3A_61, %select_n3A_57 : vector<16xi1>, vector<16xi32>
      %gt3A_63 = arith.cmpf ogt, %get3A_33, %select_n3A_59 : vector<16xf32>
      %select_n3A_64 = arith.select %gt3A_63, %get3A_33, %select_n3A_59 : vector<16xi1>, vector<16xf32>
      %broadcast_in_dim3A_65 = arith.constant 3 : i32
      %broadcast_in_dim3A_66 = vector.broadcast %broadcast_in_dim3A_65 : i32 to vector<16xi32>
      %select_n3A_67 = arith.select %gt3A_63, %broadcast_in_dim3A_66, %select_n3A_62 : vector<16xi1>, vector<16xi32>
      %gt3A_68 = arith.cmpf ogt, %get3A_38, %select_n3A_64 : vector<16xf32>
      %select_n3A_69 = arith.select %gt3A_68, %get3A_38, %select_n3A_64 : vector<16xi1>, vector<16xf32>
      %broadcast_in_dim3A_70 = arith.constant 4 : i32
      %broadcast_in_dim3A_71 = vector.broadcast %broadcast_in_dim3A_70 : i32 to vector<16xi32>
      %select_n3A_72 = arith.select %gt3A_68, %broadcast_in_dim3A_71, %select_n3A_67 : vector<16xi1>, vector<16xi32>
      %gt3A_73 = arith.cmpf ogt, %get3A_43, %select_n3A_69 : vector<16xf32>
      %select_n3A_74 = arith.select %gt3A_73, %get3A_43, %select_n3A_69 : vector<16xi1>, vector<16xf32>
      %broadcast_in_dim3A_75 = arith.constant 5 : i32
      %broadcast_in_dim3A_76 = vector.broadcast %broadcast_in_dim3A_75 : i32 to vector<16xi32>
      %select_n3A_77 = arith.select %gt3A_73, %broadcast_in_dim3A_76, %select_n3A_72 : vector<16xi1>, vector<16xi32>
      %gt3A_78 = arith.cmpf ogt, %get3A_48, %select_n3A_74 : vector<16xf32>
      %select_n3A_79 = arith.select %gt3A_78, %get3A_48, %select_n3A_74 : vector<16xi1>, vector<16xf32>
      %broadcast_in_dim3A_80 = arith.constant 6 : i32
      %broadcast_in_dim3A_81 = vector.broadcast %broadcast_in_dim3A_80 : i32 to vector<16xi32>
      %select_n3A_82 = arith.select %gt3A_78, %broadcast_in_dim3A_81, %select_n3A_77 : vector<16xi1>, vector<16xi32>
      %gt3A_83 = arith.cmpf ogt, %get3A_53, %select_n3A_79 : vector<16xf32>
      %select_n3A_84 = arith.select %gt3A_83, %get3A_53, %select_n3A_79 : vector<16xi1>, vector<16xf32>
      %broadcast_in_dim3A_85 = arith.constant 7 : i32
      %broadcast_in_dim3A_86 = vector.broadcast %broadcast_in_dim3A_85 : i32 to vector<16xi32>
      %select_n3A_87 = arith.select %gt3A_83, %broadcast_in_dim3A_86, %select_n3A_82 : vector<16xi1>, vector<16xi32>
      %sub3A = arith.subf %get3A_18, %select_n3A_84 : vector<16xf32>
      %exp3A = math.exp %sub3A : vector<16xf32>
      %sub3A_88 = arith.subf %get3A_23, %select_n3A_84 : vector<16xf32>
      %exp3A_89 = math.exp %sub3A_88 : vector<16xf32>
      %add3A_90 = arith.addf %exp3A, %exp3A_89 : vector<16xf32>
      %sub3A_91 = arith.subf %get3A_28, %select_n3A_84 : vector<16xf32>
      %exp3A_92 = math.exp %sub3A_91 : vector<16xf32>
      %add3A_93 = arith.addf %add3A_90, %exp3A_92 : vector<16xf32>
      %sub3A_94 = arith.subf %get3A_33, %select_n3A_84 : vector<16xf32>
      %exp3A_95 = math.exp %sub3A_94 : vector<16xf32>
      %add3A_96 = arith.addf %add3A_93, %exp3A_95 : vector<16xf32>
      %sub3A_97 = arith.subf %get3A_38, %select_n3A_84 : vector<16xf32>
      %exp3A_98 = math.exp %sub3A_97 : vector<16xf32>
      %add3A_99 = arith.addf %add3A_96, %exp3A_98 : vector<16xf32>
      %sub3A_100 = arith.subf %get3A_43, %select_n3A_84 : vector<16xf32>
      %exp3A_101 = math.exp %sub3A_100 : vector<16xf32>
      %add3A_102 = arith.addf %add3A_99, %exp3A_101 : vector<16xf32>
      %sub3A_103 = arith.subf %get3A_48, %select_n3A_84 : vector<16xf32>
      %exp3A_104 = math.exp %sub3A_103 : vector<16xf32>
      %add3A_105 = arith.addf %add3A_102, %exp3A_104 : vector<16xf32>
      %sub3A_106 = arith.subf %get3A_53, %select_n3A_84 : vector<16xf32>
      %exp3A_107 = math.exp %sub3A_106 : vector<16xf32>
      %add3A_108 = arith.addf %add3A_105, %exp3A_107 : vector<16xf32>
      %div3A = arith.constant 1.000000e+00 : f32
      %div3A_109 = vector.broadcast %div3A : f32 to vector<16xf32>
      %div3A_110 = arith.divf %div3A_109, %add3A_108 : vector<16xf32>
      %swap3A = arith.index_cast %mul3A_14 : i32 to index
      %swap3A_111 = tpu.vector_load %arg6[%swap3A] {strides = array<i32>} : memref<1024xf32, #tpu.memory_space<vmem>>, vector<16xf32>,
      %swap3A_112 = vector.shape_cast %swap3A_111 : vector<16xf32> to vector<16xf32>
      %swap3A_113 = vector.shape_cast %div3A_110 : vector<16xf32> to vector<16xf32>
      tpu.vector_store %arg6[%swap3A], %swap3A_113 {strides = array<i32>} : memref<1024xf32, #tpu.memory_space<vmem>>, vector<16xf32>,
      %swap3A_114 = arith.index_cast %mul3A_14 : i32 to index
      %swap3A_115 = tpu.vector_load %arg7[%swap3A_114] {strides = array<i32>} : memref<1024xi32, #tpu.memory_space<vmem>>, vector<16xi32>,
      %swap3A_116 = vector.shape_cast %swap3A_115 : vector<16xi32> to vector<16xi32>
      %swap3A_117 = vector.shape_cast %select_n3A_87 : vector<16xi32> to vector<16xi32>
      tpu.vector_store %arg7[%swap3A_114], %swap3A_117 {strides = array<i32>} : memref<1024xi32, #tpu.memory_space<vmem>>, vector<16xi32>,
      %scan3A_118 = arith.constant 0 : i32
      scf.yield %scan3A_118 : i32
    }
    %scan3A_8 = arith.constant 64 : i32
    %mul3A_9 = arith.constant 1024 : i32
    %mul3A_10 = arith.muli %add3A, %mul3A_9 : i32
    "tpu.region"() ({
      %run_scoped3A = tpu.sem_alloc : memref<!tpu.dma_semaphore, #tpu.memory_space<semaphore_mem>>
      %dma_start3A = tpu.memref_slice %arg3[%mul3A_10] : memref<32768xf32, #tpu.memory_space<hbm>> -> memref<1024xf32, #tpu.memory_space<hbm>>
      %dma_start3A_11 = tpu.memref_slice %arg3[%mul3A_10] : memref<32768xf32, #tpu.memory_space<hbm>> -> memref<1024xf32, #tpu.memory_space<hbm>>
      tpu.enqueue_dma source(%arg6 : memref<1024xf32, #tpu.memory_space<vmem>>) target(%dma_start3A_11 : memref<1024xf32, #tpu.memory_space<hbm>>) target_semaphore(%run_scoped3A : memref<!tpu.dma_semaphore, #tpu.memory_space<semaphore_mem>>)
      %dma_wait3A = tpu.memref_slice %arg3[%mul3A_10] : memref<32768xf32, #tpu.memory_space<hbm>> -> memref<1024xf32, #tpu.memory_space<hbm>>
      %dma_wait3A_12 = tpu.memref_slice %arg3[%mul3A_10] : memref<32768xf32, #tpu.memory_space<hbm>> -> memref<1024xf32, #tpu.memory_space<hbm>>
      tpu.wait_dma2 semaphore(%run_scoped3A : memref<!tpu.dma_semaphore, #tpu.memory_space<semaphore_mem>>) src(%arg6 : memref<1024xf32, #tpu.memory_space<vmem>>) dst(%dma_wait3A_12 : memref<1024xf32, #tpu.memory_space<hbm>>)
      tpu.yield
    }) : () -> ()
    "tpu.region"() ({
      %run_scoped3A = tpu.sem_alloc : memref<!tpu.dma_semaphore, #tpu.memory_space<semaphore_mem>>
      %dma_start3A = tpu.memref_slice %arg4[%mul3A_10] : memref<32768xi32, #tpu.memory_space<hbm>> -> memref<1024xi32, #tpu.memory_space<hbm>>
      %dma_start3A_11 = tpu.memref_slice %arg4[%mul3A_10] : memref<32768xi32, #tpu.memory_space<hbm>> -> memref<1024xi32, #tpu.memory_space<hbm>>
      tpu.enqueue_dma source(%arg7 : memref<1024xi32, #tpu.memory_space<vmem>>) target(%dma_start3A_11 : memref<1024xi32, #tpu.memory_space<hbm>>) target_semaphore(%run_scoped3A : memref<!tpu.dma_semaphore, #tpu.memory_space<semaphore_mem>>)
      %dma_wait3A = tpu.memref_slice %arg4[%mul3A_10] : memref<32768xi32, #tpu.memory_space<hbm>> -> memref<1024xi32, #tpu.memory_space<hbm>>
      %dma_wait3A_12 = tpu.memref_slice %arg4[%mul3A_10] : memref<32768xi32, #tpu.memory_space<hbm>> -> memref<1024xi32, #tpu.memory_space<hbm>>
      tpu.wait_dma2 semaphore(%run_scoped3A : memref<!tpu.dma_semaphore, #tpu.memory_space<semaphore_mem>>) src(%arg7 : memref<1024xi32, #tpu.memory_space<vmem>>) dst(%dma_wait3A_12 : memref<1024xi32, #tpu.memory_space<hbm>>)
      tpu.yield
    }) : () -> ()
    return
  }
}

module attributes {stable_mosaic.version = 14 : i64} {
  func.func @_tc_logits_body(%arg0: i32, %arg1: memref<4096x768xf32, #tpu.memory_space<vmem>>, %arg2: memref<768x8xf32, #tpu.memory_space<vmem>>, %arg3: memref<8x1xf32, #tpu.memory_space<vmem>>, %arg4: memref<8x4096xf32, #tpu.memory_space<vmem>>) attributes {dimension_semantics = [#tpu.dimension_semantics<arbitrary>], iteration_bounds = array<i64: 8>, scalar_prefetch = 0 : i64, scratch_operands = 0 : i64, tpu.core_type = #tpu.core_type<tc>, window_params = [{transform_indices = @transform_0, window_bounds = array<i64: 4096, 768>}, {pipeline_mode = #tpu.pipeline_mode<synchronous>, transform_indices = @transform_1, window_bounds = array<i64: 768, 8>}, {pipeline_mode = #tpu.pipeline_mode<synchronous>, transform_indices = @transform_2, window_bounds = array<i64: 8, 1>}, {transform_indices = @transform_3, window_bounds = array<i64: 8, 4096>}]} {
    %get3A = arith.constant 0 : index
    %get3A_0 = arith.constant 0 : index
    %get3A_1 = vector.load %arg1[%get3A, %get3A_0] : memref<4096x768xf32, #tpu.memory_space<vmem>>, vector<4096x768xf32>
    %get3A_2 = arith.constant 0 : index
    %get3A_3 = arith.constant 0 : index
    %get3A_4 = vector.load %arg2[%get3A_2, %get3A_3] : memref<768x8xf32, #tpu.memory_space<vmem>>, vector<768x8xf32>
    %dot_general3A = arith.constant dense<0.000000e+00> : vector<4096x8xf32>
    %dot_general3A_5 = tpu.matmul %get3A_1, %get3A_4, %dot_general3A {dimension_numbers = #tpu.dot_dimension_numbers<[1], [0], [0], [1], [0, 0, 1, 1], [], []>, transpose_lhs_hint = false} : vector<4096x768xf32>, vector<768x8xf32>, vector<4096x8xf32> -> vector<4096x8xf32>
    %transpose3A = tpu.transpose %dot_general3A_5, [1, 0] : vector<4096x8xf32> -> vector<8x4096xf32>
    %get3A_6 = arith.constant 0 : index
    %get3A_7 = arith.constant 0 : index
    %get3A_8 = vector.load %arg3[%get3A_6, %get3A_7] : memref<8x1xf32, #tpu.memory_space<vmem>>, vector<8x1xf32>
    %add3A = vector.broadcast %get3A_8 : vector<8x1xf32> to vector<8x4096xf32>
    %add3A_9 = arith.addf %transpose3A, %add3A : vector<8x4096xf32>
    %swap3A = arith.constant 0 : index
    %swap3A_10 = arith.constant 0 : index
    %swap3A_11 = vector.load %arg4[%swap3A, %swap3A_10] : memref<8x4096xf32, #tpu.memory_space<vmem>>, vector<8x4096xf32>
    tpu.vector_store %arg4[%swap3A, %swap3A_10], %add3A_9 {strides = array<i32>} : memref<8x4096xf32, #tpu.memory_space<vmem>>, vector<8x4096xf32>,
    return
  }
  func.func @transform_0(%arg0: i32) -> (i32, i32) {
    %c0_i32 = arith.constant 0 : i32
    %c0_i32_0 = arith.constant 0 : i32
    return %arg0, %c0_i32 : i32, i32
  }
  func.func @transform_1(%arg0: i32) -> (i32, i32) {
    %c0_i32 = arith.constant 0 : i32
    %c0_i32_0 = arith.constant 0 : i32
    %c0_i32_1 = arith.constant 0 : i32
    return %c0_i32, %c0_i32_0 : i32, i32
  }
  func.func @transform_2(%arg0: i32) -> (i32, i32) {
    %c0_i32 = arith.constant 0 : i32
    %c0_i32_0 = arith.constant 0 : i32
    %c0_i32_1 = arith.constant 0 : i32
    return %c0_i32, %c0_i32_0 : i32, i32
  }
  func.func @transform_3(%arg0: i32) -> (i32, i32) {
    %c0_i32 = arith.constant 0 : i32
    %c0_i32_0 = arith.constant 0 : i32
    return %c0_i32, %arg0 : i32, i32
  }
}

</mosaic_0001>

<sc_bundles>
// kernel: kernel.4.cloned.1.call-start
scs
__scs_entry_jumppad:
0x0: {  	(pc) =	sbr.rel $0x88, $3  }
0x1: {  	(tag) =	ssettag $0x0;
	lr =	simm.s32 $0x1  }
0x2: {  	[smem:$0x3F9E] =	sst lr;
	_ =	strace $0xD0000000  }
0x3: {  	_ = 	snop  }
0x4: {  	_ = 	snop  }
0x5: {  	_ = 	snop  }
0x6: {  	_ = 	snop  }
0x7: {  	_ = 	snop  }
__scs_overlays_trampoline_lowered:
0x8: {  	[smem:$0x3FAD] =	sst s0  }
0x9: {  	[smem:$0x3FAE] =	sst s1  }
0xa: {  	[smem:$0x3FAF] =	sst s2  }
0xb: {  	[smem:$0x3FB0] =	sst s3  }
0xc: {  	[smem:$0x3FB1] =	sst s4  }
0xd: {  	[smem:$0x3FB2] =	sst s5  }
0xe: {  	[smem:$0x3FB3] =	sst s6  }
0xf: {  	[smem:$0x3FB4] =	sst s7  }
0x10: {  	[smem:$0x3FB5] =	sst s8  }
0x11: {  	[smem:$0x3FB6] =	sst s9;
	s0 =	simm.s32 @!p0 $0x0  }
0x12: {  	s1 =	sld [smem:$0x3F9C];
	s0 =	simm.s32 @p0 $0x1  }
0x13: {  	[smem:$0x3FB7] =	sst s0;
	s0 =	simm.s32 @!p1 $0x0  }
0x14: {  	s2 =	sld [smem:$0x3F9B];
	s0 =	simm.s32 @p1 $0x1  }
0x15: {  	[smem:$0x3FB8] =	sst s0;
	s0 =	simm.s32 @!p2 $0x0  }
0x16: {  	s3 =	sld [smem:$0x3FDB];
	s0 =	simm.s32 @p2 $0x1  }
0x17: {  	s4 =	simm.s32 $0x1BF5;
	[smem:$0x3FBA] =	sst s0  }
0x18: {  	s0 =	sld [smem:$0x3F9D];
	_ =	swait.ge [sflag:s4], $0x0  }
0x19: {  	s7 =	sld [smem:$0x3F9E]  }
0x1a: {  	s8 =	sadd.s32 $0xFFFFE003, lr  }
0x1b: {  	s9 =	sadd.s32 $0xFFFFFEF7, lr;
	s5 =	simm.s32 $0xFFFFFFFF;
	p2 =	slt.u32 s8, $0xFFFFF086  }
0x1c: {  	p1 =	slt.u32 s9, $0xF7A;
	s5 =	simm.s32 @!p2 $0x0  }
0x1d: {  	s5 =	simm.s32 @p1 $0x1;
	p0 =	seq.s32 s7, s2  }
0x1e: {  	s7 =	smul.u32 @!p0 $0xF7A, s2;
	p2 =	seq.s32 @!p0 s5, $0x0  }
0x1f: {  	s9 =	smul.u32 $0xF7A, s1;
	s8 =	simm.s32 @!p0 $0x1BF5;
	p2 =	por !p2, p0  }
0x20: {  	[sflag:s8] =	ssyncset.s32 @!p0 $0xFFFFF086;
	s6 =	sadd.s32 @!p0 s3, s7;
	s7 =	simm.s32 @!p0 $0x108  }
0x21: {  	s3 =	sadd.s32 s3, s9;
	s6 =	sadd.s32 @!p0 $0x88, s6;
	s7 =	simm.s32 @p2 $0x1082  }
0x22: {  	[simem:s7], [sflag:s8] =	dma.local @!p0 [hbm:s6], $0xF7A  }
0x23: {  	s9 =	sor.u32 $0xD0000000, s2;
	s6 =	simm.s32 $0x108;
	_ =	swait.ge @!p0 [sflag:s8], $0x0  }
0x24: {  	s3 =	sadd.s32 $0x88, s3;
	s6 =	simm.s32 @!p1 $0x1082;
	[sflag:s4] =	ssyncset.s32 $0xFFFFF086  }
0x25: {  	[simem:s6], [sflag:s4] =	dma.local [hbm:s3], $0xF7A  }
0x26: {  	[smem:$0x3F9E] =	sst s1;
	(tag) =	ssettag s2;
	_ =	strace s9  }
0x27: {  	s1 =	sld [smem:$0x3FAE]  }
0x28: {  	s2 =	sld [smem:$0x3FAF]  }
0x29: {  	s4 =	sld [smem:$0x3FB1]  }
0x2a: {  	p0 =	seq.s32 s5, $0x0;
	s5 =	sld [smem:$0x3FB2]  }
0x2b: {  	s6 =	sld [smem:$0x3FB3]  }
0x2c: {  	s7 =	sld [smem:$0x3FB4]  }
0x2d: {  	s3 =	simm.s32 $0x108;
	s8 =	sld [smem:$0x3FB5]  }
0x2e: {  	s3 =	simm.s32 @!p0 $0x1082;
	s9 =	sld [smem:$0x3FB6]  }
0x2f: {  	lr =	sadd.s32 s0, s3;
	s0 =	sld [smem:$0x3FAD]  }
0x30: {  	s3 =	sld [smem:$0x3FB0]  }
0x31: {  	[smem:$0x3FB9] =	sst s10  }
0x32: {  	s10 =	sld [smem:$0x3FB7];
	_ =	sdelay $0x3  }
0x33: {  	p0 =	seq.s32 s10, $0x1;
	s10 =	sld [smem:$0x3FB9];
	_ =	sdelay $0x3  }
0x34: {  	[smem:$0x3FB9] =	sst s10  }
0x35: {  	s10 =	sld [smem:$0x3FB8];
	_ =	sdelay $0x3  }
0x36: {  	p1 =	seq.s32 s10, $0x1;
	s10 =	sld [smem:$0x3FB9];
	_ =	sdelay $0x3  }
0x37: {  	[smem:$0x3FB9] =	sst s10  }
0x38: {  	s10 =	sld [smem:$0x3FBA]  }
0x39: {  	_ = 	snop;
	(pc) =	sbr.ind lr, $3  }
0x3a: {  	_ = 	snop  }
0x3b: {  	_ = 	snop  }
0x3c: {  	p2 =	seq.s32 s10, $0x1;
	s10 =	sld [smem:$0x3FB9]  }
0x3d: {  	_ =	shalt  }
0x3e: {  	_ =	shalt  }
0x3f: {  	_ =	shalt  }
0x40: {  	_ =	shalt  }
0x41: {  	_ =	shalt  }
0x42: {  	_ =	shalt  }
0x43: {  	_ =	shalt  }
0x44: {  	_ =	shalt  }
0x45: {  	_ =	shalt  }
0x46: {  	_ =	shalt  }
0x47: {  	_ =	shalt  }
0x48: {  	_ =	shalt  }
0x49: {  	_ =	shalt  }
0x4a: {  	_ =	shalt  }
0x4b: {  	_ =	shalt  }
0x4c: {  	_ =	shalt  }
0x4d: {  	_ =	shalt  }
0x4e: {  	_ =	shalt  }
0x4f: {  	_ =	shalt  }
0x50: {  	_ =	shalt  }
0x51: {  	_ =	shalt  }
0x52: {  	_ =	shalt  }
0x53: {  	_ =	shalt  }
0x54: {  	_ =	shalt  }
0x55: {  	_ =	shalt  }
0x56: {  	_ =	shalt  }
0x57: {  	_ =	shalt  }
0x58: {  	_ =	shalt  }
0x59: {  	_ =	shalt  }
0x5a: {  	_ =	shalt  }
0x5b: {  	_ =	shalt  }
0x5c: {  	_ =	shalt  }
0x5d: {  	_ =	shalt  }
0x5e: {  	_ =	shalt  }
0x5f: {  	_ =	shalt  }
0x60: {  	_ =	shalt  }
0x61: {  	_ =	shalt  }
0x62: {  	_ =	shalt  }
0x63: {  	_ =	shalt  }
0x64: {  	_ =	shalt  }
0x65: {  	_ =	shalt  }
0x66: {  	_ =	shalt  }
0x67: {  	_ =	shalt  }
0x68: {  	_ =	shalt  }
0x69: {  	_ =	shalt  }
0x6a: {  	_ =	shalt  }
0x6b: {  	_ =	shalt  }
0x6c: {  	_ =	shalt  }
0x6d: {  	_ =	shalt  }
0x6e: {  	_ =	shalt  }
0x6f: {  	_ =	shalt  }
0x70: {  	_ =	shalt  }
0x71: {  	_ =	shalt  }
0x72: {  	_ =	shalt  }
0x73: {  	_ =	shalt  }
0x74: {  	_ =	shalt  }
0x75: {  	_ =	shalt  }
0x76: {  	_ =	shalt  }
0x77: {  	_ =	shalt  }
0x78: {  	_ =	shalt  }
0x79: {  	_ =	shalt  }
0x7a: {  	_ =	shalt  }
0x7b: {  	_ =	shalt  }
0x7c: {  	_ =	shalt  }
0x7d: {  	_ =	shalt  }
0x7e: {  	_ =	shalt  }
0x7f: {  	_ =	shalt  }
0x80: {  	_ =	shalt  }
0x81: {  	_ =	shalt  }
0x82: {  	_ =	shalt  }
0x83: {  	_ =	shalt  }
0x84: {  	_ =	shalt  }
0x85: {  	_ =	shalt  }
0x86: {  	_ =	shalt  }
0x87: {  	_ =	shalt  }
.Lfunc_end0:
.L_simem_size_0:
called_computation_lowered:
.L_overlay_start_0:
0x88: {  	s2 =	sld [smem:$0x3FD9]  }
0x89: {  	s3 =	sld [smem:$0x3FFE];
	_ =	sdelay $0x1  }
0x8a: {  	s1 =	srdreg.scid  }
0x8b: {  	s0 =	sand.u32 $0x1, s1  }
0x8c: {  	s14 =	sshll.u32 s0, $0xA;
	s2 =	sadd.s32 s3, s2  }
0x8d: {  	s2 =	sadd.s32 s2, s14  }
0x8e: {  	[smem:$0x3FC5] =	sst s2  }
0x8f: {  	_ = 	snop  }
0x90: {  	s2 =	sld [smem:$0x3FD0];
	_ =	sdelay $0x2  }
0x91: {  	s15 =	simm.s32 $0xA;
	s4 =	simm.s32 $0x10  }
0x92: {  	[smem:s4], [sflag:s15] =	dma.local [hbm:s2], $0x1  }
0x93: {  	_ =	swait.eq [sflag:s15], $0x1  }
0x94: {  	[sflag:s15] =	ssyncset.done $0x0  }
0x95: {  	s16 =	sld [smem:$0x10];
	[sflag:s15] =	ssyncadd.s32 $0xFFFFFFFF  }
0x96: {  	s17 =	sld [smem:$0x11];
	(tm) =	ssettm $0x1  }
0x97: {  	s18 =	sld [smem:$0x3FFB];
	_ =	sdelay $0x3  }
0x98: {  	_ =	strace s18  }
0x99: {  	s4 =	sld [smem:$0x3FFC];
	_ =	sdelay $0x3  }
0x9a: {  	_ =	strace s4  }
0x9b: {  	s4 =	sld [smem:$0x3FFD];
	_ =	sdelay $0x3  }
0x9c: {  	_ =	strace s4  }
0x9d: {  	_ =	strace $0x8FFFFFFF  }
0x9e: {  	s19 =	sld [smem:$0x3FDB];
	_ =	sdelay $0x1  }
0x9f: {  	s5 =	simm.s32 $_scs_section_size  }
0xa0: {  	s6 =	simm.s32 $_size__tile_overlayer_lowered;
	s7 =	simm.s32 $_tile_overlayer_lowered  }
0xa1: {  	s22 =	simm.s32 $0x1BFF;
	s21 =	sshll.u32 s7, $0x1;
	s4 =	sadd.s32 s5, s19  }
0xa2: {  	s8 =	simm.s32 $0x0;
	s20 =	sshll.u32 s6, $0x1;
	s6 =	sadd.s32 s21, s4  }
0xa3: {  	[timem:s8], [sflag:s22] =	dma.local [hbm:s6], s20  }
0xa4: {  	_ =	swait.ge [sflag:s22], s20  }
0xa5: {  	s5 =	ssub.s32 $0x0, s20;
	[sflag:s22] =	ssyncset.done $0x0  }
0xa6: {  	[sflag:s22] =	ssyncadd.s32 s5;
	_ =	sdelay $0x1  }
0xa7: {  	s23 =	simm.s32 $0x1B8B  }
0xa8: {  	_ =	swait.ge [sflag:s23], $0x1  }
0xa9: {  	[sflag:s23] =	ssyncset.done $0x0  }
0xaa: {  	s25 =	simm.s32 $0x1B8E;
	s24 =	sld [smem:$0x3FFE];
	[sflag:s23] =	ssyncadd.s32 $0xFFFFFFFF  }
0xab: {  	s26 =	simm.s32 $execute0_lowered;
	[smem:$0x3FD2] =	sst s25  }
0xac: {  	s6 =	sshll.u32 s26, $0x1;
	_ =	strace $0x80000046;
	[dreg:$0x1] =	wrdreg $0xFFFFFFFF  }
0xad: {  	s28 =	simm.s32 $_size_execute0_lowered;
	s4 =	sadd.s32 s4, s6;
	[dreg:$0x0] =	wrdreg $0x0  }
0xae: {  	s6 =	sshll.u32 s28, $0x1;
	[dreg:$0x2] =	wrdreg s4  }
0xaf: {  	[dreg:$0x3] =	wrdreg s6  }
0xb0: {  	[dreg:$0x4] =	wrdreg $0xC0  }
0xb1: {  	_ =	task [dreg:s8], $0x5FFFF  }
0xb2: {  	[dreg:$0x1] =	wrdreg $0xFFFFFFFF  }
0xb3: {  	[dreg:$0x0] =	wrdreg $0x60  }
0xb4: {  	[dreg:$0x2] =	wrdreg s24  }
0xb5: {  	[dreg:$0x3] =	wrdreg s16  }
0xb6: {  	[dreg:$0x4] =	wrdreg s17  }
0xb7: {  	[dreg:$0x5] =	wrdreg $0x9  }
0xb8: {  	_ =	task.clear_ibuf [dreg:s8], $0x6FFFF;
	_ =	strace $0x90000046  }
0xb9: {  	s29 =	simm.s32 $0x9;
	_ =	strace $0x80000048  }
0xba: {  	_ =	swait.ge [sflag:s29], $0x1  }
0xbb: {  	[sflag:s29] =	ssyncadd.s32 $0xFFFFFFFF  }
0xbc: {  	_ =	strace $0x90000048  }
0xbd: {  	_ =	sfence  }
0xbe: {  	s30 =	sld [smem:$0x0];
	_ =	sdelay $0x2  }
0xbf: {  	s31 =	sshll.u32 s1, $0xD;
	s1 =	sshrl.u32 s1, $0x2  }
0xc0: {  	s3 =	sand.u32 $0x4000, s31;
	s1 =	sadd.s32 s1, s30  }
0xc1: {  	s0 =	sor.u32 s3, s0;
	s1 =	sshll.u32 s1, $0x11  }
0xc2: {  	s0 =	sor.u32 s1, s0  }
0xc3: {  	s0 =	sadd.s32 $0x8F2B, s0  }
0xc4: {  	[sflag:s0] =	ssyncadd.remote.s32 $0x1  }
0xc5: {  	_ =	sfence.sel $0xFFFF  }
0xc6: {  	[dreg:$0x0] =	wrdreg $0xFFFFFFFF;
	(pc) =	sbr.abs _section_cstart, $3  }
0xc7: {  	[dreg:$0x1] =	wrdreg $0xFFFFFFFF  }
0xc8: {  	_ =	task.clear_ibuf [dreg:s8], $0x2FFFF;
	_ =	strace $0x9FFFFFFF  }
0xc9: {  	(tm) =	ssettm $0x7FFFFFFF  }
tec
execute0_lowered:
.L_overlay_start_1:
0x0: {  	(tag) =	ssettag $0x1  }
0x1: {  	s3 =	rddreg [dreg:$0x0]  }
0x2: {  	s4 =	rddreg [dreg:$0x1]  }
0x3: {  	s5 =	rddreg [dreg:$0x2]  }
0x4: {  	s0 =	rddreg [dreg:$0x3];
	s6 =	srdreg.scid  }
0x5: {  	s2 =	simm.s32 $0x0;
	s1 =	stileid.u32;
	s9 =	simm.s32 $0x2400  }
0x6: {  	s10 =	simm.s32 $0x0;
	s6 =	sand.u32 $0x1, s6;
	[smem:$0x7FF] =	sst s2  }
0x7: {  	s7 =	sshll.u32 s1, $0xB;
	s8 =	sshll.u32 s6, $0xA;
	s6 =	ssub.s32 $0x2, s6  }
0x8: {  	_ =	strace $0x80000047;
	s7 =	sor.u32 s8, s7;
	s31 =	sshrl.u32 s6, $0x1  }
0x9: {  	s8 =	simm.s32 $0x2000;
	s3 =	sadd.s32 s7, s3;
	s7 =	sshrl.u32 s7, $0x3  }
0xa: {  	s6 =	ssub.s32 s6, s31;
	s3 =	sadd.s32 $0xA00, s3;
	s4 =	sadd.s32 s4, s7  }
0xb: {  	v0 =	vimm.s32 $0x0;
	s5 =	sadd.s32 s5, s7;
	s6 =	smax.u32 s6, $0x1;
	s7 =	simm.s32 $0x1  }
.LBB2_1:
0xc: {  	[tilespmem:s2], [sflag:$0x1] =	stream.linear.gather [hbm4b:s3+s2], $0x2000, $0x38;
	[tilespmem:$0x2800] =	vst v63  }
0xd: {  	_ =	swait.ge [sflag:s7], $0x2000  }
0xe: {  	s11 =	sand.u32 $0x70, s2;
	s12 =	sand.u32 $0x1C00, s2;
	[sflag:s7] =	ssyncset.done $0x0  }
0xf: {  	s11 =	sor.u32 s11, s12;
	[sflag:s7] =	ssyncadd.s32 $0xFFFFE000  }
0x10: {  	v1 =	vld [tilespmem:s11+$0x80]  }
0x11: {  	v2 =	vld [tilespmem:s11+$0x0];
	_ =	sdelay $0x1  }
0x12: {  	v3 =	vld [tilespmem:s11+$0x100];
	_ =	sdelay $0x1  }
0x13: {  	v4 =	vld [tilespmem:s11+$0x180]  }
0x14: {  	vm0 =	vgt.f32 v1, v2  }
0x15: {  	v5 =	vld [tilespmem:s11+$0x200];
	v6 =	vsel vm0, v1, v2  }
0x16: {  	vm1 =	vgt.f32 v3, v6  }
0x17: {  	v7 =	vld [tilespmem:s11+$0x280];
	v6 =	vsel vm1, v3, v6  }
0x18: {  	vm2 =	vgt.f32 v4, v6  }
0x19: {  	v8 =	vld [tilespmem:s11+$0x300];
	v6 =	vsel vm2, v4, v6  }
0x1a: {  	vm3 =	vgt.f32 v5, v6  }
0x1b: {  	v9 =	vld [tilespmem:s11+$0x380];
	v6 =	vsel vm3, v5, v6  }
0x1c: {  	vm5 =	vgt.f32 v7, v6  }
0x1d: {  	v6 =	vsel vm5, v7, v6  }
0x1e: {  	vm6 =	vgt.f32 v8, v6  }
0x1f: {  	v6 =	vsel vm6, v8, v6  }
0x20: {  	vm4 =	vgt.f32 v9, v6  }
0x21: {  	v6 =	vsel vm4, v9, v6  }
0x22: {  	v2 =	vsub.f32 v2, v6  }
0x23: {  	v1 =	vsub.f32 v1, v6  }
0x24: {  	v2 =	vmul.f32 $1.442695020e+00, v2  }
0x25: {  	v3 =	vsub.f32 v3, v6;
	v1 =	vmul.f32 $1.442695020e+00, v1  }
0x26: {  	(erf) = vpow2.f32 v2  }
0x27: {  	v2 =	vsub.f32 v4, v6;
	(erf) = vpow2.f32 v1;
	v1 =	vmul.f32 $1.442695020e+00, v3;
	_ =	sdelay $0x1  }
0x28: {  	(erf) = vpow2.f32 v1;
	v1 =	vmul.f32 $1.442695020e+00, v2;
	v2 =	vsub.f32 v5, v6;
	_ =	sdelay $0x1  }
0x29: {  	(erf) = vpow2.f32 v1;
	v1 =	vmul.f32 $1.442695020e+00, v2;
	v2 =	vsub.f32 v7, v6;
	_ =	sdelay $0x1  }
0x2a: {  	(erf) = vpow2.f32 v1;
	v1 =	vmul.f32 $1.442695020e+00, v2;
	v2 =	vsub.f32 v8, v6;
	_ =	sdelay $0x1  }
0x2b: {  	v2 =	vmul.f32 $1.442695020e+00, v2  }
0x2c: {  	v3 =	vsub.f32 v9, v6;
	v63 =	vpop (erf);
	(erf) = vpow2.f32 v1  }
0x2d: {  	v1 =	vpop (erf)  }
0x2e: {  	v3 =	vmul.f32 $1.442695020e+00, v3;
	(erf) = vpow2.f32 v2;
	v1 =	vadd.f32 v1, v63  }
0x2f: {  	v2 =	vpop (erf)  }
0x30: {  	(erf) = vpow2.f32 v3;
	v1 =	vadd.f32 v1, v2  }
0x31: {  	v2 =	vpop (erf)  }
0x32: {  	v1 =	vadd.f32 v1, v2  }
0x33: {  	v2 =	vpop (erf)  }
0x34: {  	v1 =	vadd.f32 v1, v2  }
0x35: {  	v2 =	vpop (erf)  }
0x36: {  	v1 =	vadd.f32 v1, v2  }
0x37: {  	v2 =	vpop (erf)  }
0x38: {  	v1 =	vadd.f32 v1, v2  }
0x39: {  	v2 =	vpop (erf)  }
0x3a: {  	v1 =	vadd.f32 v1, v2;
	_ =	sdelay $0x1  }
0x3b: {  	(erf) = vrcp.f32 v1;
	_ =	sdelay $0x3  }
0x3c: {  	v1 =	vsel vm0, $0x1, v0  }
0x3d: {  	v1 =	vsel vm1, $0x2, v1  }
0x3e: {  	v1 =	vsel vm2, $0x3, v1  }
0x3f: {  	v1 =	vsel vm3, $0x4, v1  }
0x40: {  	v1 =	vsel vm5, $0x5, v1  }
0x41: {  	s30 =	simm.s32 $0x10;
	s13 =	simm.s32 $0x80;
	v1 =	vsel vm6, $0x6, v1;
	v2 =	vpop (erf)  }
0x42: {  	s31 =	sand.u32 $0x1C00, s13;
	s11 =	sand.u32 $0x70, s30;
	v1 =	vsel vm4, $0x7, v1;
	[tilespmem:s8+$0x0] =	vst v2  }
0x43: {  	s15 =	sor.u32 s11, s31;
	[tilespmem:s9+$0x0] =	vst v1  }
0x44: {  	v1 =	vld [tilespmem:s15+$0x80]  }
0x45: {  	s14 =	simm.s32 $0x20;
	s12 =	simm.s32 $0x2000;
	s11 =	simm.s32 $0x2400;
	v2 =	vld [tilespmem:s15+$0x0]  }
.LBB2_2:
0x46: {  	p0 =	sne.s32 s14, $0x3F0  }
0x47: {  	v3 =	vld [tilespmem:s15+$0x100];
	_ =	sdelay $0x1  }
0x48: {  	v4 =	vld [tilespmem:s15+$0x180]  }
0x49: {  	vm0 =	vgt.f32 v1, v2  }
0x4a: {  	v5 =	vld [tilespmem:s15+$0x200];
	v6 =	vsel vm0, v1, v2;
	v7 =	vsel vm0, $0x1, v0  }
0x4b: {  	vm0 =	vgt.f32 v3, v6  }
0x4c: {  	v8 =	vld [tilespmem:s15+$0x280];
	v6 =	vsel vm0, v3, v6;
	v7 =	vsel vm0, $0x2, v7  }
0x4d: {  	vm0 =	vgt.f32 v4, v6  }
0x4e: {  	v9 =	vld [tilespmem:s15+$0x300];
	v6 =	vsel vm0, v4, v6;
	v7 =	vsel vm0, $0x3, v7  }
0x4f: {  	vm0 =	vgt.f32 v5, v6  }
0x50: {  	v10 =	vld [tilespmem:s15+$0x380];
	v6 =	vsel vm0, v5, v6;
	v7 =	vsel vm0, $0x4, v7  }
0x51: {  	vm0 =	vgt.f32 v8, v6  }
0x52: {  	v6 =	vsel vm0, v8, v6;
	v7 =	vsel vm0, $0x5, v7  }
0x53: {  	vm0 =	vgt.f32 v9, v6  }
0x54: {  	v6 =	vsel vm0, v9, v6;
	v7 =	vsel vm0, $0x6, v7  }
0x55: {  	vm0 =	vgt.f32 v10, v6  }
0x56: {  	v6 =	vsel vm0, v10, v6;
	v7 =	vsel vm0, $0x7, v7  }
0x57: {  	v2 =	vsub.f32 v2, v6  }
0x58: {  	v1 =	vsub.f32 v1, v6  }
0x59: {  	v2 =	vmul.f32 $1.442695020e+00, v2  }
0x5a: {  	v3 =	vsub.f32 v3, v6;
	v1 =	vmul.f32 $1.442695020e+00, v1  }
0x5b: {  	(erf) = vpow2.f32 v2  }
0x5c: {  	v2 =	vmul.f32 $1.442695020e+00, v3;
	v3 =	vsub.f32 v4, v6;
	(erf) = vpow2.f32 v1;
	_ =	sdelay $0x1  }
0x5d: {  	v1 =	vmul.f32 $1.442695020e+00, v3;
	v3 =	vsub.f32 v5, v6;
	(erf) = vpow2.f32 v2;
	_ =	sdelay $0x1  }
0x5e: {  	v2 =	vmul.f32 $1.442695020e+00, v3;
	v3 =	vsub.f32 v8, v6;
	(erf) = vpow2.f32 v1;
	_ =	sdelay $0x1  }
0x5f: {  	v5 =	vmul.f32 $1.442695020e+00, v3;
	v3 =	vsub.f32 v9, v6;
	(erf) = vpow2.f32 v2;
	_ =	sdelay $0x1  }
0x60: {  	v8 =	vmul.f32 $1.442695020e+00, v3;
	v3 =	vsub.f32 v10, v6;
	v4 =	vpop (erf);
	(erf) = vpow2.f32 v5  }
0x61: {  	v1 =	vpop (erf)  }
0x62: {  	v3 =	vmul.f32 $1.442695020e+00, v3;
	v1 =	vadd.f32 v1, v4;
	(erf) = vpow2.f32 v8  }
0x63: {  	v2 =	vpop (erf)  }
0x64: {  	v1 =	vadd.f32 v1, v2;
	(erf) = vpow2.f32 v3  }
0x65: {  	v2 =	vpop (erf)  }
0x66: {  	v1 =	vadd.f32 v1, v2  }
0x67: {  	v2 =	vpop (erf)  }
0x68: {  	v1 =	vadd.f32 v1, v2  }
0x69: {  	v2 =	vpop (erf)  }
0x6a: {  	v1 =	vadd.f32 v1, v2  }
0x6b: {  	v2 =	vpop (erf)  }
0x6c: {  	v1 =	vadd.f32 v1, v2  }
0x6d: {  	v2 =	vpop (erf)  }
0x6e: {  	v1 =	vadd.f32 v1, v2;
	_ =	sdelay $0x1  }
0x6f: {  	(erf) = vrcp.f32 v1;
	_ =	sdelay $0x8  }
.Ltmp0:
0x70: {  	s13 =	sadd.s32 $0x80, s13;
	s12 =	sadd.s32 $0x10, s12;
	v1 =	vpop (erf);
	(pc) =	sbr.rel @p0 .LBB2_2-.Ltmp0, $4  }
0x71: {  	s11 =	sadd.s32 $0x10, s11;
	s16 =	sand.u32 $0x1C00, s13;
	s15 =	sand.u32 $0x70, s14;
	[tilespmem:s12+$0x0] =	vst v1  }
0x72: {  	s15 =	sor.u32 s15, s16;
	[tilespmem:s11+$0x0] =	vst v7  }
0x73: {  	v1 =	vld [tilespmem:s15+$0x80]  }
0x74: {  	s14 =	sadd.s32 $0x10, s14;
	v2 =	vld [tilespmem:s15+$0x0]  }
0x75: {  	_ = 	snop  }
0x76: {  	v3 =	vld [tilespmem:s15+$0x100];
	_ =	sdelay $0x1  }
0x77: {  	v4 =	vld [tilespmem:s15+$0x180]  }
0x78: {  	vm0 =	vgt.f32 v1, v2  }
0x79: {  	v5 =	vld [tilespmem:s15+$0x200];
	v6 =	vsel vm0, v1, v2  }
0x7a: {  	vm1 =	vgt.f32 v3, v6  }
0x7b: {  	v7 =	vld [tilespmem:s15+$0x280];
	v6 =	vsel vm1, v3, v6  }
0x7c: {  	vm2 =	vgt.f32 v4, v6  }
0x7d: {  	v8 =	vld [tilespmem:s15+$0x300];
	v6 =	vsel vm2, v4, v6  }
0x7e: {  	vm3 =	vgt.f32 v5, v6  }
0x7f: {  	v9 =	vld [tilespmem:s15+$0x380];
	v6 =	vsel vm3, v5, v6  }
0x80: {  	vm4 =	vgt.f32 v7, v6  }
0x81: {  	v6 =	vsel vm4, v7, v6  }
0x82: {  	vm6 =	vgt.f32 v8, v6  }
0x83: {  	v6 =	vsel vm6, v8, v6  }
0x84: {  	vm5 =	vgt.f32 v9, v6  }
0x85: {  	v6 =	vsel vm5, v9, v6  }
0x86: {  	v2 =	vsub.f32 v2, v6  }
0x87: {  	v1 =	vsub.f32 v1, v6  }
0x88: {  	v2 =	vmul.f32 $1.442695020e+00, v2  }
0x89: {  	v3 =	vsub.f32 v3, v6;
	v1 =	vmul.f32 $1.442695020e+00, v1  }
0x8a: {  	(erf) = vpow2.f32 v2  }
0x8b: {  	v2 =	vsub.f32 v4, v6;
	(erf) = vpow2.f32 v1;
	v1 =	vmul.f32 $1.442695020e+00, v3;
	_ =	sdelay $0x1  }
0x8c: {  	(erf) = vpow2.f32 v1;
	v1 =	vmul.f32 $1.442695020e+00, v2;
	v2 =	vsub.f32 v5, v6;
	_ =	sdelay $0x1  }
0x8d: {  	(erf) = vpow2.f32 v1;
	v1 =	vmul.f32 $1.442695020e+00, v2;
	v2 =	vsub.f32 v7, v6;
	_ =	sdelay $0x1  }
0x8e: {  	(erf) = vpow2.f32 v1;
	v1 =	vmul.f32 $1.442695020e+00, v2;
	v2 =	vsub.f32 v8, v6;
	_ =	sdelay $0x1  }
0x8f: {  	v2 =	vmul.f32 $1.442695020e+00, v2  }
0x90: {  	v3 =	vsub.f32 v9, v6;
	v63 =	vpop (erf);
	(erf) = vpow2.f32 v1  }
0x91: {  	v1 =	vpop (erf)  }
0x92: {  	v3 =	vmul.f32 $1.442695020e+00, v3;
	(erf) = vpow2.f32 v2;
	v1 =	vadd.f32 v1, v63  }
0x93: {  	v2 =	vpop (erf)  }
0x94: {  	(erf) = vpow2.f32 v3;
	v1 =	vadd.f32 v1, v2  }
0x95: {  	v2 =	vpop (erf)  }
0x96: {  	v1 =	vadd.f32 v1, v2  }
0x97: {  	v2 =	vpop (erf)  }
0x98: {  	v1 =	vadd.f32 v1, v2  }
0x99: {  	v2 =	vpop (erf)  }
0x9a: {  	v1 =	vadd.f32 v1, v2  }
0x9b: {  	v2 =	vpop (erf)  }
0x9c: {  	v1 =	vadd.f32 v1, v2  }
0x9d: {  	v2 =	vpop (erf)  }
0x9e: {  	v1 =	vadd.f32 v1, v2;
	_ =	sdelay $0x1  }
0x9f: {  	(erf) = vrcp.f32 v1;
	_ =	sdelay $0x3  }
0xa0: {  	v1 =	vsel vm0, $0x1, v0  }
0xa1: {  	v1 =	vsel vm1, $0x2, v1  }
0xa2: {  	v1 =	vsel vm2, $0x3, v1  }
0xa3: {  	v1 =	vsel vm3, $0x4, v1  }
0xa4: {  	v1 =	vsel vm4, $0x5, v1  }
0xa5: {  	s12 =	sadd.s32 $0x10, s12;
	v1 =	vsel vm6, $0x6, v1;
	v2 =	vpop (erf)  }
0xa6: {  	s11 =	sadd.s32 $0x10, s11;
	v1 =	vsel vm5, $0x7, v1;
	[tilespmem:s12+$0x0] =	vst v2  }
0xa7: {  	[tilespmem:s11+$0x0] =	vst v1  }
0xa8: {  	[hbm4b:s4+s2] =	stream.linear.scatter [tilespmem:s8], [sflag:$0x1], $0x400, $0x38;
	[tilespmem:$0x2800] =	vst v63  }
0xa9: {  	s10 =	sadd.s32 $0x1, s10;
	_ =	swait.ge [sflag:s7], $0x400  }
0xaa: {  	p0 =	sne.s32 s10, s6;
	[sflag:s7] =	ssyncset.done $0x0  }
.Ltmp1:
0xab: {  	[sflag:s7] =	ssyncadd.s32 $0xFFFFFC00;
	(pc) =	sbr.rel @p0 .LBB2_1-.Ltmp1, $4  }
0xac: {  	[hbm4b:s5+s2] =	stream.linear.scatter [tilespmem:s9], [sflag:$0x1], $0x400, $0x38;
	[tilespmem:$0x2800] =	vst v63  }
0xad: {  	_ =	swait.ge [sflag:s7], $0x400  }
0xae: {  	[sflag:s7] =	ssyncset.done $0x0  }
0xaf: {  	[sflag:s7] =	ssyncadd.s32 $0xFFFFFC00  }
0xb0: {  	_ =	sfence.sel $0x180000  }
0xb1: {  	[bflag:$0x0] =	sbarrier.arrive $0xFFFF  }
0xb2: {  	p0 =	sne.s32 s1, $0x0;
	_ =	strace $0x90000047  }
0xb3: {  	s0 =	sadd.s32 @!p0 $0x100000, s0;
	[bflag:$0x2] =	sbarrier.arrive $0xFFFF  }
0xb4: {  	[sflag:s0] =	ssyncadd.tile.s32 @!p0 $0x1;
	_ =	shalt  }
.Lfunc_end2:
_tile_overlayer_lowered:
.L_overlay_start_2:
0xb5: {  	(tag) =	ssettag $0x2  }
0xb6: {  	s0 =	rddreg [dreg:$0x0];
	s2 =	stileid.u32  }
0xb7: {  	s1 =	rddreg [dreg:$0x1];
	p0 =	sne.s32 s2, $0x0  }
0xb8: {  	s3 =	rddreg [dreg:$0x2];
	[bflag:$0x3] =	sbarrier.arrive $0xFFFF;
	s2 =	simm.s32 @!p0 $0x1C01  }
0xb9: {  	[timem:s3], [sflag:s2] =	dma.local @!p0 [hbm:s0], s1  }
0xba: {  	s0 =	simm.s32 @!p0 $0x1  }
0xbb: {  	_ =	swait.ge @!p0 [sflag:s0], s1  }
0xbc: {  	s1 =	ssub.s32 @!p0 $0x0, s1;
	[sflag:s0] =	ssyncset.done @!p0 $0x0  }
0xbd: {  	[sflag:s0] =	ssyncadd.s32 @!p0 s1  }
0xbe: {  	[bflag:$0x3] =	sbarrier.arrive $0xFFFF  }
0xbf: {  	_ =	shalt  }

</sc_bundles>
